<compile_context>
chip_gen: v7x
topology: tpu7x:2x2x1
jax: 0.10.2.dev20260603
libtpu: 0.0.44.dev20260713+nightly
codegen_flags: <defaults>
</compile_context>

<pallas_src>
import functools

import jax
import jax.numpy as jnp
from jax import lax
from jax.experimental import pallas as pl
from jax.experimental.pallas import tpu as pltpu
from jax.experimental.pallas import tpu_sc as plsc

_B = 16384
_D = 1024
_NT = 1000
_ROWS = 1024
_NB = _B // _ROWS
_SUB = _ROWS // 128

_NW = 32
_BPW = _B // _NW
_CHUNK = 128
_NCH = _BPW // _CHUNK

_sc_mesh = plsc.VectorSubcoreMesh(core_axis_name="c", subcore_axis_name="s")


@functools.partial(
    pl.kernel,
    mesh=_sc_mesh,
    out_type=jax.ShapeDtypeStruct((_B // _CHUNK, _CHUNK), jnp.float32),
    scratch_types=[
        pltpu.VMEM((_NCH, _CHUNK), jnp.int32),
        pltpu.VMEM((_NCH, _CHUNK), jnp.float32),
        pltpu.SemaphoreType.DMA,
        pltpu.SemaphoreType.DMA,
        pltpu.SemaphoreType.DMA,
    ],
)
def _sc_gather(tbl_hbm, idx_hbm, out_hbm, idx_v, ac_v, sem_i, sem_g, sem_o):
    wid = lax.axis_index("s") * 2 + lax.axis_index("c")
    row0 = wid * _NCH
    idx_copies = [
        pltpu.async_copy(idx_hbm.at[pl.ds(row0 + j, 1)], idx_v.at[pl.ds(j, 1)], sem_i)
        for j in range(_NCH)
    ]
    gathers = []
    for j in range(_NCH):
        idx_copies[j].wait()
        gathers.append(pltpu.async_copy(tbl_hbm.at[idx_v.at[j]], ac_v.at[j], sem_g))
    out_copies = []
    for j in range(_NCH):
        gathers[j].wait()
        out_copies.append(
            pltpu.async_copy(ac_v.at[pl.ds(j, 1)], out_hbm.at[pl.ds(row0 + j, 1)], sem_o)
        )
    for c in out_copies:
        c.wait()


def _dense_kernel(ac_ref, x0_ref, nz_ref, out_ref):
    act = ac_ref[...]
    for s in range(_SUB):
        col = jnp.transpose(act[s : s + 1, :])
        sa = jnp.sqrt(col)
        sb = jnp.sqrt(1.0 - col)
        rows = pl.ds(s * 128, 128)
        out_ref[rows, :] = sa * x0_ref[rows, :] + sb * nz_ref[rows, :]


@jax.jit
def kernel(x_0, timesteps, noise, alphas_cumprod):
    idx = timesteps.reshape(_B // _CHUNK, _CHUNK)
    ac = _sc_gather(alphas_cumprod, idx)
    return pl.pallas_call(
        _dense_kernel,
        grid=(_NB,),
        in_specs=[
            pl.BlockSpec((_SUB, _CHUNK), lambda i: (i, 0)),
            pl.BlockSpec((_ROWS, _D), lambda i: (i, 0)),
            pl.BlockSpec((_ROWS, _D), lambda i: (i, 0)),
        ],
        out_specs=pl.BlockSpec((_ROWS, _D), lambda i: (i, 0)),
        out_shape=jax.ShapeDtypeStruct((_B, _D), jnp.float32),
        compiler_params=pltpu.CompilerParams(
            dimension_semantics=("arbitrary",),
        ),
    )(ac, x_0, noise)

# --- scband reference (transcript-rebuilt; emitter-appended) ---
"""Pipeline reference for scband-noise-scheduler-58471684768254 (READ-ONLY COPY).

The authoritative reference and input builder live on the scoring server;
editing this copy changes nothing except your own understanding.
"""

import jax, jax.numpy as jnp
import numpy as np

B = 16384
D = 1024
NUM_T = 1000
BETA_START = 0.0001
BETA_END = 0.02


def setup_inputs(seed: int = 0) -> dict:
    key = jax.random.key(seed)
    k1, k2, k3 = jax.random.split(key, 3)
    x_0 = jax.random.normal(k1, (B, D), dtype=jnp.float32)
    timesteps = jax.random.randint(k2, (B, 1), 0, NUM_T)
    noise = jax.random.normal(k3, (B, D), dtype=jnp.float32)
    # scheduler buffers (computed in __init__)
    betas = jnp.linspace(BETA_START, BETA_END, NUM_T).astype(jnp.float32)
    alphas = 1.0 - betas
    alphas_cumprod = jnp.cumprod(alphas, axis=0)
    return {"x_0": x_0, "timesteps": timesteps, "noise": noise, "alphas_cumprod": alphas_cumprod}


def reference(x_0, timesteps, noise, alphas_cumprod):
    # NoiseScheduler.add_noise: gather per-sample cumulative alpha, then q(x_t | x_0)
    ac_t = jnp.take(alphas_cumprod, timesteps, axis=0)  # [B, 1] gather (embedding-style lookup)
    x_t = jnp.sqrt(ac_t) * x_0 + jnp.sqrt(1.0 - ac_t) * noise
    return x_t

if __name__ == "__main__":
    import jax
    _d = setup_inputs()
    print(jax.jit(kernel)(*tuple(_d.values())))

</pallas_src>

<mosaic_0001>
#map = affine_map<(d0, d1) -> (0)>
#map1 = affine_map<(d0, d1) -> (0, 0)>
module attributes {stable_mosaic.version = 14 : i64} {
  func.func @_sc_gather(%arg0: i32, %arg1: i32, %arg2: memref<1000xf32, #tpu.memory_space<hbm>>, %arg3: memref<128x128xi32, #tpu.memory_space<hbm>>, %arg4: memref<128x128xf32, #tpu.memory_space<hbm>>, %arg5: memref<4x128xi32, #tpu.memory_space<vmem>>, %arg6: memref<4x128xf32, #tpu.memory_space<vmem>>, %arg7: memref<!tpu.dma_semaphore, #tpu.memory_space<semaphore_mem>>, %arg8: memref<!tpu.dma_semaphore, #tpu.memory_space<semaphore_mem>>, %arg9: memref<!tpu.dma_semaphore, #tpu.memory_space<semaphore_mem>>) attributes {dimension_semantics = [#tpu.dimension_semantics<core_parallel>, #tpu.dimension_semantics<subcore_parallel>], iteration_bounds = array<i64: 2, 16>, scalar_prefetch = 0 : i64, scratch_operands = 5 : i64, tpu.core_type = #tpu.core_type<sc_vector_subcore>, window_params = [{transform_indices = #map}, {transform_indices = #map1}, {transform_indices = #map1}]} {
    %mul3A = arith.constant 2 : i32
    %mul3A_0 = arith.muli %arg1, %mul3A : i32
    %add3A = arith.addi %mul3A_0, %arg0 : i32
    %mul3A_1 = arith.constant 4 : i32
    %mul3A_2 = arith.muli %add3A, %mul3A_1 : i32
    %add3A_3 = arith.constant 0 : i32
    %add3A_4 = arith.addi %mul3A_2, %add3A_3 : i32
    %dma_start3A = arith.constant 0 : i32
    %dma_start3A_5 = arith.constant 0 : i32
    %dma_start3A_6 = tpu.memref_slice %arg5[%dma_start3A, %dma_start3A_5] : memref<4x128xi32, #tpu.memory_space<vmem>> -> memref<1x128xi32, #tpu.memory_space<vmem>>
    %dma_start3A_7 = arith.constant 0 : i32
    %dma_start3A_8 = tpu.memref_slice %arg3[%add3A_4, %dma_start3A_7] : memref<128x128xi32, #tpu.memory_space<hbm>> -> memref<1x128xi32, #tpu.memory_space<hbm>>
    %dma_start3A_9 = arith.constant 0 : i32
    %dma_start3A_10 = arith.constant 0 : i32
    %dma_start3A_11 = tpu.memref_slice %arg5[%dma_start3A_9, %dma_start3A_10] : memref<4x128xi32, #tpu.memory_space<vmem>> -> memref<1x128xi32, #tpu.memory_space<vmem>>
    %dma_start3A_12 = arith.constant 0 : i32
    %dma_start3A_13 = tpu.memref_slice %arg3[%add3A_4, %dma_start3A_12] : memref<128x128xi32, #tpu.memory_space<hbm>> -> memref<1x128xi32, #tpu.memory_space<hbm>>
    tpu.enqueue_dma source(%dma_start3A_13 : memref<1x128xi32, #tpu.memory_space<hbm>>) target(%dma_start3A_11 : memref<1x128xi32, #tpu.memory_space<vmem>>) target_semaphore(%arg7 : memref<!tpu.dma_semaphore, #tpu.memory_space<semaphore_mem>>)
    %add3A_14 = arith.constant 1 : i32
    %add3A_15 = arith.addi %mul3A_2, %add3A_14 : i32
    %dma_start3A_16 = arith.constant 1 : i32
    %dma_start3A_17 = arith.constant 0 : i32
    %dma_start3A_18 = tpu.memref_slice %arg5[%dma_start3A_16, %dma_start3A_17] : memref<4x128xi32, #tpu.memory_space<vmem>> -> memref<1x128xi32, #tpu.memory_space<vmem>>
    %dma_start3A_19 = arith.constant 0 : i32
    %dma_start3A_20 = tpu.memref_slice %arg3[%add3A_15, %dma_start3A_19] : memref<128x128xi32, #tpu.memory_space<hbm>> -> memref<1x128xi32, #tpu.memory_space<hbm>>
    %dma_start3A_21 = arith.constant 1 : i32
    %dma_start3A_22 = arith.constant 0 : i32
    %dma_start3A_23 = tpu.memref_slice %arg5[%dma_start3A_21, %dma_start3A_22] : memref<4x128xi32, #tpu.memory_space<vmem>> -> memref<1x128xi32, #tpu.memory_space<vmem>>
    %dma_start3A_24 = arith.constant 0 : i32
    %dma_start3A_25 = tpu.memref_slice %arg3[%add3A_15, %dma_start3A_24] : memref<128x128xi32, #tpu.memory_space<hbm>> -> memref<1x128xi32, #tpu.memory_space<hbm>>
    tpu.enqueue_dma source(%dma_start3A_25 : memref<1x128xi32, #tpu.memory_space<hbm>>) target(%dma_start3A_23 : memref<1x128xi32, #tpu.memory_space<vmem>>) target_semaphore(%arg7 : memref<!tpu.dma_semaphore, #tpu.memory_space<semaphore_mem>>)
    %add3A_26 = arith.constant 2 : i32
    %add3A_27 = arith.addi %mul3A_2, %add3A_26 : i32
    %dma_start3A_28 = arith.constant 2 : i32
    %dma_start3A_29 = arith.constant 0 : i32
    %dma_start3A_30 = tpu.memref_slice %arg5[%dma_start3A_28, %dma_start3A_29] : memref<4x128xi32, #tpu.memory_space<vmem>> -> memref<1x128xi32, #tpu.memory_space<vmem>>
    %dma_start3A_31 = arith.constant 0 : i32
    %dma_start3A_32 = tpu.memref_slice %arg3[%add3A_27, %dma_start3A_31] : memref<128x128xi32, #tpu.memory_space<hbm>> -> memref<1x128xi32, #tpu.memory_space<hbm>>
    %dma_start3A_33 = arith.constant 2 : i32
    %dma_start3A_34 = arith.constant 0 : i32
    %dma_start3A_35 = tpu.memref_slice %arg5[%dma_start3A_33, %dma_start3A_34] : memref<4x128xi32, #tpu.memory_space<vmem>> -> memref<1x128xi32, #tpu.memory_space<vmem>>
    %dma_start3A_36 = arith.constant 0 : i32
    %dma_start3A_37 = tpu.memref_slice %arg3[%add3A_27, %dma_start3A_36] : memref<128x128xi32, #tpu.memory_space<hbm>> -> memref<1x128xi32, #tpu.memory_space<hbm>>
    tpu.enqueue_dma source(%dma_start3A_37 : memref<1x128xi32, #tpu.memory_space<hbm>>) target(%dma_start3A_35 : memref<1x128xi32, #tpu.memory_space<vmem>>) target_semaphore(%arg7 : memref<!tpu.dma_semaphore, #tpu.memory_space<semaphore_mem>>)
    %add3A_38 = arith.constant 3 : i32
    %add3A_39 = arith.addi %mul3A_2, %add3A_38 : i32
    %dma_start3A_40 = arith.constant 3 : i32
    %dma_start3A_41 = arith.constant 0 : i32
    %dma_start3A_42 = tpu.memref_slice %arg5[%dma_start3A_40, %dma_start3A_41] : memref<4x128xi32, #tpu.memory_space<vmem>> -> memref<1x128xi32, #tpu.memory_space<vmem>>
    %dma_start3A_43 = arith.constant 0 : i32
    %dma_start3A_44 = tpu.memref_slice %arg3[%add3A_39, %dma_start3A_43] : memref<128x128xi32, #tpu.memory_space<hbm>> -> memref<1x128xi32, #tpu.memory_space<hbm>>
    %dma_start3A_45 = arith.constant 3 : i32
    %dma_start3A_46 = arith.constant 0 : i32
    %dma_start3A_47 = tpu.memref_slice %arg5[%dma_start3A_45, %dma_start3A_46] : memref<4x128xi32, #tpu.memory_space<vmem>> -> memref<1x128xi32, #tpu.memory_space<vmem>>
    %dma_start3A_48 = arith.constant 0 : i32
    %dma_start3A_49 = tpu.memref_slice %arg3[%add3A_39, %dma_start3A_48] : memref<128x128xi32, #tpu.memory_space<hbm>> -> memref<1x128xi32, #tpu.memory_space<hbm>>
    tpu.enqueue_dma source(%dma_start3A_49 : memref<1x128xi32, #tpu.memory_space<hbm>>) target(%dma_start3A_47 : memref<1x128xi32, #tpu.memory_space<vmem>>) target_semaphore(%arg7 : memref<!tpu.dma_semaphore, #tpu.memory_space<semaphore_mem>>)
    %dma_wait3A = arith.constant 0 : i32
    %dma_wait3A_50 = arith.constant 0 : i32
    %dma_wait3A_51 = tpu.memref_slice %arg5[%dma_wait3A, %dma_wait3A_50] : memref<4x128xi32, #tpu.memory_space<vmem>> -> memref<1x128xi32, #tpu.memory_space<vmem>>
    %dma_wait3A_52 = arith.constant 0 : i32
    %dma_wait3A_53 = tpu.memref_slice %arg3[%add3A_4, %dma_wait3A_52] : memref<128x128xi32, #tpu.memory_space<hbm>> -> memref<1x128xi32, #tpu.memory_space<hbm>>
    %dma_wait3A_54 = arith.constant 0 : i32
    %dma_wait3A_55 = arith.constant 0 : i32
    %dma_wait3A_56 = tpu.memref_slice %arg5[%dma_wait3A_54, %dma_wait3A_55] : memref<4x128xi32, #tpu.memory_space<vmem>> -> memref<1x128xi32, #tpu.memory_space<vmem>>
    %dma_wait3A_57 = arith.constant 0 : i32
    %dma_wait3A_58 = tpu.memref_slice %arg3[%add3A_4, %dma_wait3A_57] : memref<128x128xi32, #tpu.memory_space<hbm>> -> memref<1x128xi32, #tpu.memory_space<hbm>>
    tpu.wait_dma2 semaphore(%arg7 : memref<!tpu.dma_semaphore, #tpu.memory_space<semaphore_mem>>) src(%dma_wait3A_58 : memref<1x128xi32, #tpu.memory_space<hbm>>) dst(%dma_wait3A_56 : memref<1x128xi32, #tpu.memory_space<vmem>>)
    %dma_start3A_59 = arith.constant 0 : i32
    %dma_start3A_60 = arith.constant 0 : i32
    %dma_start3A_61 = arith.constant 0 : i32
    %dma_start3A_62 = tpu.memref_slice %arg6[%dma_start3A_60, %dma_start3A_61] : memref<4x128xf32, #tpu.memory_space<vmem>> -> memref<1x128xf32, #tpu.memory_space<vmem>>
    %dma_start3A_63 = tpu.memref_squeeze %dma_start3A_62 : memref<1x128xf32, #tpu.memory_space<vmem>> -> memref<128xf32, #tpu.memory_space<vmem>>
    %dma_start3A_64 = arith.constant 0 : i32
    %dma_start3A_65 = tpu.memref_slice %arg5[%dma_start3A_59, %dma_start3A_64] : memref<4x128xi32, #tpu.memory_space<vmem>> -> memref<1x128xi32, #tpu.memory_space<vmem>>
    %dma_start3A_66 = tpu.memref_squeeze %dma_start3A_65 : memref<1x128xi32, #tpu.memory_space<vmem>> -> memref<128xi32, #tpu.memory_space<vmem>>
    %dma_start3A_67 = arith.constant 0 : i32
    %dma_start3A_68 = tpu.memref_slice %arg2[%dma_start3A_67] : memref<1000xf32, #tpu.memory_space<hbm>> -> memref<1000xf32, #tpu.memory_space<hbm>>
    tpu.enqueue_indirect_dma source(%dma_start3A_68 : memref<1000xf32, #tpu.memory_space<hbm>>) target(%dma_start3A_63 : memref<128xf32, #tpu.memory_space<vmem>>) offsets(%dma_start3A_66 : memref<128xi32, #tpu.memory_space<vmem>>) semaphore(%arg8 : memref<!tpu.dma_semaphore, #tpu.memory_space<semaphore_mem>>)
    %dma_wait3A_69 = arith.constant 1 : i32
    %dma_wait3A_70 = arith.constant 0 : i32
    %dma_wait3A_71 = tpu.memref_slice %arg5[%dma_wait3A_69, %dma_wait3A_70] : memref<4x128xi32, #tpu.memory_space<vmem>> -> memref<1x128xi32, #tpu.memory_space<vmem>>
    %dma_wait3A_72 = arith.constant 0 : i32
    %dma_wait3A_73 = tpu.memref_slice %arg3[%add3A_15, %dma_wait3A_72] : memref<128x128xi32, #tpu.memory_space<hbm>> -> memref<1x128xi32, #tpu.memory_space<hbm>>
    %dma_wait3A_74 = arith.constant 1 : i32
    %dma_wait3A_75 = arith.constant 0 : i32
    %dma_wait3A_76 = tpu.memref_slice %arg5[%dma_wait3A_74, %dma_wait3A_75] : memref<4x128xi32, #tpu.memory_space<vmem>> -> memref<1x128xi32, #tpu.memory_space<vmem>>
    %dma_wait3A_77 = arith.constant 0 : i32
    %dma_wait3A_78 = tpu.memref_slice %arg3[%add3A_15, %dma_wait3A_77] : memref<128x128xi32, #tpu.memory_space<hbm>> -> memref<1x128xi32, #tpu.memory_space<hbm>>
    tpu.wait_dma2 semaphore(%arg7 : memref<!tpu.dma_semaphore, #tpu.memory_space<semaphore_mem>>) src(%dma_wait3A_78 : memref<1x128xi32, #tpu.memory_space<hbm>>) dst(%dma_wait3A_76 : memref<1x128xi32, #tpu.memory_space<vmem>>)
    %dma_start3A_79 = arith.constant 1 : i32
    %dma_start3A_80 = arith.constant 1 : i32
    %dma_start3A_81 = arith.constant 0 : i32
    %dma_start3A_82 = tpu.memref_slice %arg6[%dma_start3A_80, %dma_start3A_81] : memref<4x128xf32, #tpu.memory_space<vmem>> -> memref<1x128xf32, #tpu.memory_space<vmem>>
    %dma_start3A_83 = tpu.memref_squeeze %dma_start3A_82 : memref<1x128xf32, #tpu.memory_space<vmem>> -> memref<128xf32, #tpu.memory_space<vmem>>
    %dma_start3A_84 = arith.constant 0 : i32
    %dma_start3A_85 = tpu.memref_slice %arg5[%dma_start3A_79, %dma_start3A_84] : memref<4x128xi32, #tpu.memory_space<vmem>> -> memref<1x128xi32, #tpu.memory_space<vmem>>
    %dma_start3A_86 = tpu.memref_squeeze %dma_start3A_85 : memref<1x128xi32, #tpu.memory_space<vmem>> -> memref<128xi32, #tpu.memory_space<vmem>>
    %dma_start3A_87 = arith.constant 0 : i32
    %dma_start3A_88 = tpu.memref_slice %arg2[%dma_start3A_87] : memref<1000xf32, #tpu.memory_space<hbm>> -> memref<1000xf32, #tpu.memory_space<hbm>>
    tpu.enqueue_indirect_dma source(%dma_start3A_88 : memref<1000xf32, #tpu.memory_space<hbm>>) target(%dma_start3A_83 : memref<128xf32, #tpu.memory_space<vmem>>) offsets(%dma_start3A_86 : memref<128xi32, #tpu.memory_space<vmem>>) semaphore(%arg8 : memref<!tpu.dma_semaphore, #tpu.memory_space<semaphore_mem>>)
    %dma_wait3A_89 = arith.constant 2 : i32
    %dma_wait3A_90 = arith.constant 0 : i32
    %dma_wait3A_91 = tpu.memref_slice %arg5[%dma_wait3A_89, %dma_wait3A_90] : memref<4x128xi32, #tpu.memory_space<vmem>> -> memref<1x128xi32, #tpu.memory_space<vmem>>
    %dma_wait3A_92 = arith.constant 0 : i32
    %dma_wait3A_93 = tpu.memref_slice %arg3[%add3A_27, %dma_wait3A_92] : memref<128x128xi32, #tpu.memory_space<hbm>> -> memref<1x128xi32, #tpu.memory_space<hbm>>
    %dma_wait3A_94 = arith.constant 2 : i32
    %dma_wait3A_95 = arith.constant 0 : i32
    %dma_wait3A_96 = tpu.memref_slice %arg5[%dma_wait3A_94, %dma_wait3A_95] : memref<4x128xi32, #tpu.memory_space<vmem>> -> memref<1x128xi32, #tpu.memory_space<vmem>>
    %dma_wait3A_97 = arith.constant 0 : i32
    %dma_wait3A_98 = tpu.memref_slice %arg3[%add3A_27, %dma_wait3A_97] : memref<128x128xi32, #tpu.memory_space<hbm>> -> memref<1x128xi32, #tpu.memory_space<hbm>>
    tpu.wait_dma2 semaphore(%arg7 : memref<!tpu.dma_semaphore, #tpu.memory_space<semaphore_mem>>) src(%dma_wait3A_98 : memref<1x128xi32, #tpu.memory_space<hbm>>) dst(%dma_wait3A_96 : memref<1x128xi32, #tpu.memory_space<vmem>>)
    %dma_start3A_99 = arith.constant 2 : i32
    %dma_start3A_100 = arith.constant 2 : i32
    %dma_start3A_101 = arith.constant 0 : i32
    %dma_start3A_102 = tpu.memref_slice %arg6[%dma_start3A_100, %dma_start3A_101] : memref<4x128xf32, #tpu.memory_space<vmem>> -> memref<1x128xf32, #tpu.memory_space<vmem>>
    %dma_start3A_103 = tpu.memref_squeeze %dma_start3A_102 : memref<1x128xf32, #tpu.memory_space<vmem>> -> memref<128xf32, #tpu.memory_space<vmem>>
    %dma_start3A_104 = arith.constant 0 : i32
    %dma_start3A_105 = tpu.memref_slice %arg5[%dma_start3A_99, %dma_start3A_104] : memref<4x128xi32, #tpu.memory_space<vmem>> -> memref<1x128xi32, #tpu.memory_space<vmem>>
    %dma_start3A_106 = tpu.memref_squeeze %dma_start3A_105 : memref<1x128xi32, #tpu.memory_space<vmem>> -> memref<128xi32, #tpu.memory_space<vmem>>
    %dma_start3A_107 = arith.constant 0 : i32
    %dma_start3A_108 = tpu.memref_slice %arg2[%dma_start3A_107] : memref<1000xf32, #tpu.memory_space<hbm>> -> memref<1000xf32, #tpu.memory_space<hbm>>
    tpu.enqueue_indirect_dma source(%dma_start3A_108 : memref<1000xf32, #tpu.memory_space<hbm>>) target(%dma_start3A_103 : memref<128xf32, #tpu.memory_space<vmem>>) offsets(%dma_start3A_106 : memref<128xi32, #tpu.memory_space<vmem>>) semaphore(%arg8 : memref<!tpu.dma_semaphore, #tpu.memory_space<semaphore_mem>>)
    %dma_wait3A_109 = arith.constant 3 : i32
    %dma_wait3A_110 = arith.constant 0 : i32
    %dma_wait3A_111 = tpu.memref_slice %arg5[%dma_wait3A_109, %dma_wait3A_110] : memref<4x128xi32, #tpu.memory_space<vmem>> -> memref<1x128xi32, #tpu.memory_space<vmem>>
    %dma_wait3A_112 = arith.constant 0 : i32
    %dma_wait3A_113 = tpu.memref_slice %arg3[%add3A_39, %dma_wait3A_112] : memref<128x128xi32, #tpu.memory_space<hbm>> -> memref<1x128xi32, #tpu.memory_space<hbm>>
    %dma_wait3A_114 = arith.constant 3 : i32
    %dma_wait3A_115 = arith.constant 0 : i32
    %dma_wait3A_116 = tpu.memref_slice %arg5[%dma_wait3A_114, %dma_wait3A_115] : memref<4x128xi32, #tpu.memory_space<vmem>> -> memref<1x128xi32, #tpu.memory_space<vmem>>
    %dma_wait3A_117 = arith.constant 0 : i32
    %dma_wait3A_118 = tpu.memref_slice %arg3[%add3A_39, %dma_wait3A_117] : memref<128x128xi32, #tpu.memory_space<hbm>> -> memref<1x128xi32, #tpu.memory_space<hbm>>
    tpu.wait_dma2 semaphore(%arg7 : memref<!tpu.dma_semaphore, #tpu.memory_space<semaphore_mem>>) src(%dma_wait3A_118 : memref<1x128xi32, #tpu.memory_space<hbm>>) dst(%dma_wait3A_116 : memref<1x128xi32, #tpu.memory_space<vmem>>)
    %dma_start3A_119 = arith.constant 3 : i32
    %dma_start3A_120 = arith.constant 3 : i32
    %dma_start3A_121 = arith.constant 0 : i32
    %dma_start3A_122 = tpu.memref_slice %arg6[%dma_start3A_120, %dma_start3A_121] : memref<4x128xf32, #tpu.memory_space<vmem>> -> memref<1x128xf32, #tpu.memory_space<vmem>>
    %dma_start3A_123 = tpu.memref_squeeze %dma_start3A_122 : memref<1x128xf32, #tpu.memory_space<vmem>> -> memref<128xf32, #tpu.memory_space<vmem>>
    %dma_start3A_124 = arith.constant 0 : i32
    %dma_start3A_125 = tpu.memref_slice %arg5[%dma_start3A_119, %dma_start3A_124] : memref<4x128xi32, #tpu.memory_space<vmem>> -> memref<1x128xi32, #tpu.memory_space<vmem>>
    %dma_start3A_126 = tpu.memref_squeeze %dma_start3A_125 : memref<1x128xi32, #tpu.memory_space<vmem>> -> memref<128xi32, #tpu.memory_space<vmem>>
    %dma_start3A_127 = arith.constant 0 : i32
    %dma_start3A_128 = tpu.memref_slice %arg2[%dma_start3A_127] : memref<1000xf32, #tpu.memory_space<hbm>> -> memref<1000xf32, #tpu.memory_space<hbm>>
    tpu.enqueue_indirect_dma source(%dma_start3A_128 : memref<1000xf32, #tpu.memory_space<hbm>>) target(%dma_start3A_123 : memref<128xf32, #tpu.memory_space<vmem>>) offsets(%dma_start3A_126 : memref<128xi32, #tpu.memory_space<vmem>>) semaphore(%arg8 : memref<!tpu.dma_semaphore, #tpu.memory_space<semaphore_mem>>)
    %dma_wait3A_129 = arith.constant 0 : i32
    %dma_wait3A_130 = arith.constant 0 : i32
    %dma_wait3A_131 = arith.constant 0 : i32
    %dma_wait3A_132 = tpu.memref_slice %arg6[%dma_wait3A_130, %dma_wait3A_131] : memref<4x128xf32, #tpu.memory_space<vmem>> -> memref<1x128xf32, #tpu.memory_space<vmem>>
    %dma_wait3A_133 = tpu.memref_squeeze %dma_wait3A_132 : memref<1x128xf32, #tpu.memory_space<vmem>> -> memref<128xf32, #tpu.memory_space<vmem>>
    %dma_wait3A_134 = arith.constant 0 : i32
    %dma_wait3A_135 = tpu.memref_slice %arg5[%dma_wait3A_129, %dma_wait3A_134] : memref<4x128xi32, #tpu.memory_space<vmem>> -> memref<1x128xi32, #tpu.memory_space<vmem>>
    %dma_wait3A_136 = tpu.memref_squeeze %dma_wait3A_135 : memref<1x128xi32, #tpu.memory_space<vmem>> -> memref<128xi32, #tpu.memory_space<vmem>>
    %dma_wait3A_137 = arith.constant 0 : i32
    %dma_wait3A_138 = tpu.memref_slice %arg2[%dma_wait3A_137] : memref<1000xf32, #tpu.memory_space<hbm>> -> memref<1000xf32, #tpu.memory_space<hbm>>
    tpu.wait_indirect_dma semaphore(%arg8 : memref<!tpu.dma_semaphore, #tpu.memory_space<semaphore_mem>>) src(%dma_wait3A_138 : memref<1000xf32, #tpu.memory_space<hbm>>) dst(%dma_wait3A_133 : memref<128xf32, #tpu.memory_space<vmem>>)
    %add3A_139 = arith.constant 0 : i32
    %add3A_140 = arith.addi %mul3A_2, %add3A_139 : i32
    %dma_start3A_141 = arith.constant 0 : i32
    %dma_start3A_142 = arith.constant 0 : i32
    %dma_start3A_143 = tpu.memref_slice %arg6[%dma_start3A_141, %dma_start3A_142] : memref<4x128xf32, #tpu.memory_space<vmem>> -> memref<1x128xf32, #tpu.memory_space<vmem>>
    %dma_start3A_144 = arith.constant 0 : i32
    %dma_start3A_145 = tpu.memref_slice %arg4[%add3A_140, %dma_start3A_144] : memref<128x128xf32, #tpu.memory_space<hbm>> -> memref<1x128xf32, #tpu.memory_space<hbm>>
    %dma_start3A_146 = arith.constant 0 : i32
    %dma_start3A_147 = tpu.memref_slice %arg4[%add3A_140, %dma_start3A_146] : memref<128x128xf32, #tpu.memory_space<hbm>> -> memref<1x128xf32, #tpu.memory_space<hbm>>
    %dma_start3A_148 = arith.constant 0 : i32
    %dma_start3A_149 = arith.constant 0 : i32
    %dma_start3A_150 = tpu.memref_slice %arg6[%dma_start3A_148, %dma_start3A_149] : memref<4x128xf32, #tpu.memory_space<vmem>> -> memref<1x128xf32, #tpu.memory_space<vmem>>
    tpu.enqueue_dma source(%dma_start3A_150 : memref<1x128xf32, #tpu.memory_space<vmem>>) target(%dma_start3A_147 : memref<1x128xf32, #tpu.memory_space<hbm>>) target_semaphore(%arg9 : memref<!tpu.dma_semaphore, #tpu.memory_space<semaphore_mem>>)
    %dma_wait3A_151 = arith.constant 1 : i32
    %dma_wait3A_152 = arith.constant 1 : i32
    %dma_wait3A_153 = arith.constant 0 : i32
    %dma_wait3A_154 = tpu.memref_slice %arg6[%dma_wait3A_152, %dma_wait3A_153] : memref<4x128xf32, #tpu.memory_space<vmem>> -> memref<1x128xf32, #tpu.memory_space<vmem>>
    %dma_wait3A_155 = tpu.memref_squeeze %dma_wait3A_154 : memref<1x128xf32, #tpu.memory_space<vmem>> -> memref<128xf32, #tpu.memory_space<vmem>>
    %dma_wait3A_156 = arith.constant 0 : i32
    %dma_wait3A_157 = tpu.memref_slice %arg5[%dma_wait3A_151, %dma_wait3A_156] : memref<4x128xi32, #tpu.memory_space<vmem>> -> memref<1x128xi32, #tpu.memory_space<vmem>>
    %dma_wait3A_158 = tpu.memref_squeeze %dma_wait3A_157 : memref<1x128xi32, #tpu.memory_space<vmem>> -> memref<128xi32, #tpu.memory_space<vmem>>
    %dma_wait3A_159 = arith.constant 0 : i32
    %dma_wait3A_160 = tpu.memref_slice %arg2[%dma_wait3A_159] : memref<1000xf32, #tpu.memory_space<hbm>> -> memref<1000xf32, #tpu.memory_space<hbm>>
    tpu.wait_indirect_dma semaphore(%arg8 : memref<!tpu.dma_semaphore, #tpu.memory_space<semaphore_mem>>) src(%dma_wait3A_160 : memref<1000xf32, #tpu.memory_space<hbm>>) dst(%dma_wait3A_155 : memref<128xf32, #tpu.memory_space<vmem>>)
    %add3A_161 = arith.constant 1 : i32
    %add3A_162 = arith.addi %mul3A_2, %add3A_161 : i32
    %dma_start3A_163 = arith.constant 1 : i32
    %dma_start3A_164 = arith.constant 0 : i32
    %dma_start3A_165 = tpu.memref_slice %arg6[%dma_start3A_163, %dma_start3A_164] : memref<4x128xf32, #tpu.memory_space<vmem>> -> memref<1x128xf32, #tpu.memory_space<vmem>>
    %dma_start3A_166 = arith.constant 0 : i32
    %dma_start3A_167 = tpu.memref_slice %arg4[%add3A_162, %dma_start3A_166] : memref<128x128xf32, #tpu.memory_space<hbm>> -> memref<1x128xf32, #tpu.memory_space<hbm>>
    %dma_start3A_168 = arith.constant 0 : i32
    %dma_start3A_169 = tpu.memref_slice %arg4[%add3A_162, %dma_start3A_168] : memref<128x128xf32, #tpu.memory_space<hbm>> -> memref<1x128xf32, #tpu.memory_space<hbm>>
    %dma_start3A_170 = arith.constant 1 : i32
    %dma_start3A_171 = arith.constant 0 : i32
    %dma_start3A_172 = tpu.memref_slice %arg6[%dma_start3A_170, %dma_start3A_171] : memref<4x128xf32, #tpu.memory_space<vmem>> -> memref<1x128xf32, #tpu.memory_space<vmem>>
    tpu.enqueue_dma source(%dma_start3A_172 : memref<1x128xf32, #tpu.memory_space<vmem>>) target(%dma_start3A_169 : memref<1x128xf32, #tpu.memory_space<hbm>>) target_semaphore(%arg9 : memref<!tpu.dma_semaphore, #tpu.memory_space<semaphore_mem>>)
    %dma_wait3A_173 = arith.constant 2 : i32
    %dma_wait3A_174 = arith.constant 2 : i32
    %dma_wait3A_175 = arith.constant 0 : i32
    %dma_wait3A_176 = tpu.memref_slice %arg6[%dma_wait3A_174, %dma_wait3A_175] : memref<4x128xf32, #tpu.memory_space<vmem>> -> memref<1x128xf32, #tpu.memory_space<vmem>>
    %dma_wait3A_177 = tpu.memref_squeeze %dma_wait3A_176 : memref<1x128xf32, #tpu.memory_space<vmem>> -> memref<128xf32, #tpu.memory_space<vmem>>
    %dma_wait3A_178 = arith.constant 0 : i32
    %dma_wait3A_179 = tpu.memref_slice %arg5[%dma_wait3A_173, %dma_wait3A_178] : memref<4x128xi32, #tpu.memory_space<vmem>> -> memref<1x128xi32, #tpu.memory_space<vmem>>
    %dma_wait3A_180 = tpu.memref_squeeze %dma_wait3A_179 : memref<1x128xi32, #tpu.memory_space<vmem>> -> memref<128xi32, #tpu.memory_space<vmem>>
    %dma_wait3A_181 = arith.constant 0 : i32
    %dma_wait3A_182 = tpu.memref_slice %arg2[%dma_wait3A_181] : memref<1000xf32, #tpu.memory_space<hbm>> -> memref<1000xf32, #tpu.memory_space<hbm>>
    tpu.wait_indirect_dma semaphore(%arg8 : memref<!tpu.dma_semaphore, #tpu.memory_space<semaphore_mem>>) src(%dma_wait3A_182 : memref<1000xf32, #tpu.memory_space<hbm>>) dst(%dma_wait3A_177 : memref<128xf32, #tpu.memory_space<vmem>>)
    %add3A_183 = arith.constant 2 : i32
    %add3A_184 = arith.addi %mul3A_2, %add3A_183 : i32
    %dma_start3A_185 = arith.constant 2 : i32
    %dma_start3A_186 = arith.constant 0 : i32
    %dma_start3A_187 = tpu.memref_slice %arg6[%dma_start3A_185, %dma_start3A_186] : memref<4x128xf32, #tpu.memory_space<vmem>> -> memref<1x128xf32, #tpu.memory_space<vmem>>
    %dma_start3A_188 = arith.constant 0 : i32
    %dma_start3A_189 = tpu.memref_slice %arg4[%add3A_184, %dma_start3A_188] : memref<128x128xf32, #tpu.memory_space<hbm>> -> memref<1x128xf32, #tpu.memory_space<hbm>>
    %dma_start3A_190 = arith.constant 0 : i32
    %dma_start3A_191 = tpu.memref_slice %arg4[%add3A_184, %dma_start3A_190] : memref<128x128xf32, #tpu.memory_space<hbm>> -> memref<1x128xf32, #tpu.memory_space<hbm>>
    %dma_start3A_192 = arith.constant 2 : i32
    %dma_start3A_193 = arith.constant 0 : i32
    %dma_start3A_194 = tpu.memref_slice %arg6[%dma_start3A_192, %dma_start3A_193] : memref<4x128xf32, #tpu.memory_space<vmem>> -> memref<1x128xf32, #tpu.memory_space<vmem>>
    tpu.enqueue_dma source(%dma_start3A_194 : memref<1x128xf32, #tpu.memory_space<vmem>>) target(%dma_start3A_191 : memref<1x128xf32, #tpu.memory_space<hbm>>) target_semaphore(%arg9 : memref<!tpu.dma_semaphore, #tpu.memory_space<semaphore_mem>>)
    %dma_wait3A_195 = arith.constant 3 : i32
    %dma_wait3A_196 = arith.constant 3 : i32
    %dma_wait3A_197 = arith.constant 0 : i32
    %dma_wait3A_198 = tpu.memref_slice %arg6[%dma_wait3A_196, %dma_wait3A_197] : memref<4x128xf32, #tpu.memory_space<vmem>> -> memref<1x128xf32, #tpu.memory_space<vmem>>
    %dma_wait3A_199 = tpu.memref_squeeze %dma_wait3A_198 : memref<1x128xf32, #tpu.memory_space<vmem>> -> memref<128xf32, #tpu.memory_space<vmem>>
    %dma_wait3A_200 = arith.constant 0 : i32
    %dma_wait3A_201 = tpu.memref_slice %arg5[%dma_wait3A_195, %dma_wait3A_200] : memref<4x128xi32, #tpu.memory_space<vmem>> -> memref<1x128xi32, #tpu.memory_space<vmem>>
    %dma_wait3A_202 = tpu.memref_squeeze %dma_wait3A_201 : memref<1x128xi32, #tpu.memory_space<vmem>> -> memref<128xi32, #tpu.memory_space<vmem>>
    %dma_wait3A_203 = arith.constant 0 : i32
    %dma_wait3A_204 = tpu.memref_slice %arg2[%dma_wait3A_203] : memref<1000xf32, #tpu.memory_space<hbm>> -> memref<1000xf32, #tpu.memory_space<hbm>>
    tpu.wait_indirect_dma semaphore(%arg8 : memref<!tpu.dma_semaphore, #tpu.memory_space<semaphore_mem>>) src(%dma_wait3A_204 : memref<1000xf32, #tpu.memory_space<hbm>>) dst(%dma_wait3A_199 : memref<128xf32, #tpu.memory_space<vmem>>)
    %add3A_205 = arith.constant 3 : i32
    %add3A_206 = arith.addi %mul3A_2, %add3A_205 : i32
    %dma_start3A_207 = arith.constant 3 : i32
    %dma_start3A_208 = arith.constant 0 : i32
    %dma_start3A_209 = tpu.memref_slice %arg6[%dma_start3A_207, %dma_start3A_208] : memref<4x128xf32, #tpu.memory_space<vmem>> -> memref<1x128xf32, #tpu.memory_space<vmem>>
    %dma_start3A_210 = arith.constant 0 : i32
    %dma_start3A_211 = tpu.memref_slice %arg4[%add3A_206, %dma_start3A_210] : memref<128x128xf32, #tpu.memory_space<hbm>> -> memref<1x128xf32, #tpu.memory_space<hbm>>
    %dma_start3A_212 = arith.constant 0 : i32
    %dma_start3A_213 = tpu.memref_slice %arg4[%add3A_206, %dma_start3A_212] : memref<128x128xf32, #tpu.memory_space<hbm>> -> memref<1x128xf32, #tpu.memory_space<hbm>>
    %dma_start3A_214 = arith.constant 3 : i32
    %dma_start3A_215 = arith.constant 0 : i32
    %dma_start3A_216 = tpu.memref_slice %arg6[%dma_start3A_214, %dma_start3A_215] : memref<4x128xf32, #tpu.memory_space<vmem>> -> memref<1x128xf32, #tpu.memory_space<vmem>>
    tpu.enqueue_dma source(%dma_start3A_216 : memref<1x128xf32, #tpu.memory_space<vmem>>) target(%dma_start3A_213 : memref<1x128xf32, #tpu.memory_space<hbm>>) target_semaphore(%arg9 : memref<!tpu.dma_semaphore, #tpu.memory_space<semaphore_mem>>)
    %dma_wait3A_217 = arith.constant 0 : i32
    %dma_wait3A_218 = arith.constant 0 : i32
    %dma_wait3A_219 = tpu.memref_slice %arg6[%dma_wait3A_217, %dma_wait3A_218] : memref<4x128xf32, #tpu.memory_space<vmem>> -> memref<1x128xf32, #tpu.memory_space<vmem>>
    %dma_wait3A_220 = arith.constant 0 : i32
    %dma_wait3A_221 = tpu.memref_slice %arg4[%add3A_140, %dma_wait3A_220] : memref<128x128xf32, #tpu.memory_space<hbm>> -> memref<1x128xf32, #tpu.memory_space<hbm>>
    %dma_wait3A_222 = arith.constant 0 : i32
    %dma_wait3A_223 = tpu.memref_slice %arg4[%add3A_140, %dma_wait3A_222] : memref<128x128xf32, #tpu.memory_space<hbm>> -> memref<1x128xf32, #tpu.memory_space<hbm>>
    %dma_wait3A_224 = arith.constant 0 : i32
    %dma_wait3A_225 = arith.constant 0 : i32
    %dma_wait3A_226 = tpu.memref_slice %arg6[%dma_wait3A_224, %dma_wait3A_225] : memref<4x128xf32, #tpu.memory_space<vmem>> -> memref<1x128xf32, #tpu.memory_space<vmem>>
    tpu.wait_dma2 semaphore(%arg9 : memref<!tpu.dma_semaphore, #tpu.memory_space<semaphore_mem>>) src(%dma_wait3A_226 : memref<1x128xf32, #tpu.memory_space<vmem>>) dst(%dma_wait3A_223 : memref<1x128xf32, #tpu.memory_space<hbm>>)
    %dma_wait3A_227 = arith.constant 1 : i32
    %dma_wait3A_228 = arith.constant 0 : i32
    %dma_wait3A_229 = tpu.memref_slice %arg6[%dma_wait3A_227, %dma_wait3A_228] : memref<4x128xf32, #tpu.memory_space<vmem>> -> memref<1x128xf32, #tpu.memory_space<vmem>>
    %dma_wait3A_230 = arith.constant 0 : i32
    %dma_wait3A_231 = tpu.memref_slice %arg4[%add3A_162, %dma_wait3A_230] : memref<128x128xf32, #tpu.memory_space<hbm>> -> memref<1x128xf32, #tpu.memory_space<hbm>>
    %dma_wait3A_232 = arith.constant 0 : i32
    %dma_wait3A_233 = tpu.memref_slice %arg4[%add3A_162, %dma_wait3A_232] : memref<128x128xf32, #tpu.memory_space<hbm>> -> memref<1x128xf32, #tpu.memory_space<hbm>>
    %dma_wait3A_234 = arith.constant 1 : i32
    %dma_wait3A_235 = arith.constant 0 : i32
    %dma_wait3A_236 = tpu.memref_slice %arg6[%dma_wait3A_234, %dma_wait3A_235] : memref<4x128xf32, #tpu.memory_space<vmem>> -> memref<1x128xf32, #tpu.memory_space<vmem>>
    tpu.wait_dma2 semaphore(%arg9 : memref<!tpu.dma_semaphore, #tpu.memory_space<semaphore_mem>>) src(%dma_wait3A_236 : memref<1x128xf32, #tpu.memory_space<vmem>>) dst(%dma_wait3A_233 : memref<1x128xf32, #tpu.memory_space<hbm>>)
    %dma_wait3A_237 = arith.constant 2 : i32
    %dma_wait3A_238 = arith.constant 0 : i32
    %dma_wait3A_239 = tpu.memref_slice %arg6[%dma_wait3A_237, %dma_wait3A_238] : memref<4x128xf32, #tpu.memory_space<vmem>> -> memref<1x128xf32, #tpu.memory_space<vmem>>
    %dma_wait3A_240 = arith.constant 0 : i32
    %dma_wait3A_241 = tpu.memref_slice %arg4[%add3A_184, %dma_wait3A_240] : memref<128x128xf32, #tpu.memory_space<hbm>> -> memref<1x128xf32, #tpu.memory_space<hbm>>
    %dma_wait3A_242 = arith.constant 0 : i32
    %dma_wait3A_243 = tpu.memref_slice %arg4[%add3A_184, %dma_wait3A_242] : memref<128x128xf32, #tpu.memory_space<hbm>> -> memref<1x128xf32, #tpu.memory_space<hbm>>
    %dma_wait3A_244 = arith.constant 2 : i32
    %dma_wait3A_245 = arith.constant 0 : i32
    %dma_wait3A_246 = tpu.memref_slice %arg6[%dma_wait3A_244, %dma_wait3A_245] : memref<4x128xf32, #tpu.memory_space<vmem>> -> memref<1x128xf32, #tpu.memory_space<vmem>>
    tpu.wait_dma2 semaphore(%arg9 : memref<!tpu.dma_semaphore, #tpu.memory_space<semaphore_mem>>) src(%dma_wait3A_246 : memref<1x128xf32, #tpu.memory_space<vmem>>) dst(%dma_wait3A_243 : memref<1x128xf32, #tpu.memory_space<hbm>>)
    %dma_wait3A_247 = arith.constant 3 : i32
    %dma_wait3A_248 = arith.constant 0 : i32
    %dma_wait3A_249 = tpu.memref_slice %arg6[%dma_wait3A_247, %dma_wait3A_248] : memref<4x128xf32, #tpu.memory_space<vmem>> -> memref<1x128xf32, #tpu.memory_space<vmem>>
    %dma_wait3A_250 = arith.constant 0 : i32
    %dma_wait3A_251 = tpu.memref_slice %arg4[%add3A_206, %dma_wait3A_250] : memref<128x128xf32, #tpu.memory_space<hbm>> -> memref<1x128xf32, #tpu.memory_space<hbm>>
    %dma_wait3A_252 = arith.constant 0 : i32
    %dma_wait3A_253 = tpu.memref_slice %arg4[%add3A_206, %dma_wait3A_252] : memref<128x128xf32, #tpu.memory_space<hbm>> -> memref<1x128xf32, #tpu.memory_space<hbm>>
    %dma_wait3A_254 = arith.constant 3 : i32
    %dma_wait3A_255 = arith.constant 0 : i32
    %dma_wait3A_256 = tpu.memref_slice %arg6[%dma_wait3A_254, %dma_wait3A_255] : memref<4x128xf32, #tpu.memory_space<vmem>> -> memref<1x128xf32, #tpu.memory_space<vmem>>
    tpu.wait_dma2 semaphore(%arg9 : memref<!tpu.dma_semaphore, #tpu.memory_space<semaphore_mem>>) src(%dma_wait3A_256 : memref<1x128xf32, #tpu.memory_space<vmem>>) dst(%dma_wait3A_253 : memref<1x128xf32, #tpu.memory_space<hbm>>)
    return
  }
}

module attributes {stable_mosaic.version = 14 : i64} {
  func.func @_dense_kernel(%arg0: i32, %arg1: memref<8x128xf32, #tpu.memory_space<vmem>>, %arg2: memref<1024x1024xf32, #tpu.memory_space<vmem>>, %arg3: memref<1024x1024xf32, #tpu.memory_space<vmem>>, %arg4: memref<1024x1024xf32, #tpu.memory_space<vmem>>) attributes {dimension_semantics = [#tpu.dimension_semantics<arbitrary>], iteration_bounds = array<i64: 16>, scalar_prefetch = 0 : i64, scratch_operands = 0 : i64, tpu.core_type = #tpu.core_type<tc>, window_params = [{transform_indices = @transform_0, window_bounds = array<i64: 8, 128>}, {transform_indices = @transform_1, window_bounds = array<i64: 1024, 1024>}, {transform_indices = @transform_2, window_bounds = array<i64: 1024, 1024>}, {transform_indices = @transform_3, window_bounds = array<i64: 1024, 1024>}]} {
    %get3A = arith.constant 0 : index
    %get3A_0 = arith.constant 0 : index
    %get3A_1 = vector.load %arg1[%get3A, %get3A_0] : memref<8x128xf32, #tpu.memory_space<vmem>>, vector<8x128xf32>
    %slice3A = vector.extract_strided_slice %get3A_1 {offsets = [0, 0], sizes = [1, 128], strides = [1, 1]} : vector<8x128xf32> to vector<1x128xf32>
    %transpose3A = tpu.transpose %slice3A, [1, 0] : vector<1x128xf32> -> vector<128x1xf32>
    %sqrt3A = math.sqrt %transpose3A : vector<128x1xf32>
    %sub3A = arith.constant 1.000000e+00 : f32
    %sub3A_2 = vector.broadcast %sub3A : f32 to vector<128x1xf32>
    %sub3A_3 = arith.subf %sub3A_2, %transpose3A : vector<128x1xf32>
    %sqrt3A_4 = math.sqrt %sub3A_3 : vector<128x1xf32>
    %get3A_5 = arith.constant 0 : index
    %get3A_6 = arith.constant 0 : index
    %get3A_7 = vector.load %arg2[%get3A_5, %get3A_6] : memref<1024x1024xf32, #tpu.memory_space<vmem>>, vector<128x1024xf32>
    %mul3A = vector.broadcast %sqrt3A : vector<128x1xf32> to vector<128x1024xf32>
    %mul3A_8 = arith.mulf %mul3A, %get3A_7 : vector<128x1024xf32>
    %get3A_9 = arith.constant 0 : index
    %get3A_10 = arith.constant 0 : index
    %get3A_11 = vector.load %arg3[%get3A_9, %get3A_10] : memref<1024x1024xf32, #tpu.memory_space<vmem>>, vector<128x1024xf32>
    %mul3A_12 = vector.broadcast %sqrt3A_4 : vector<128x1xf32> to vector<128x1024xf32>
    %mul3A_13 = arith.mulf %mul3A_12, %get3A_11 : vector<128x1024xf32>
    %add3A = arith.addf %mul3A_8, %mul3A_13 : vector<128x1024xf32>
    %swap3A = arith.constant 0 : index
    %swap3A_14 = arith.constant 0 : index
    %swap3A_15 = vector.load %arg4[%swap3A, %swap3A_14] : memref<1024x1024xf32, #tpu.memory_space<vmem>>, vector<128x1024xf32>
    tpu.vector_store %arg4[%swap3A, %swap3A_14], %add3A {strides = array<i32>} : memref<1024x1024xf32, #tpu.memory_space<vmem>>, vector<128x1024xf32>,
    %slice3A_16 = vector.extract_strided_slice %get3A_1 {offsets = [1, 0], sizes = [1, 128], strides = [1, 1]} : vector<8x128xf32> to vector<1x128xf32>
    %transpose3A_17 = tpu.transpose %slice3A_16, [1, 0] : vector<1x128xf32> -> vector<128x1xf32>
    %sqrt3A_18 = math.sqrt %transpose3A_17 : vector<128x1xf32>
    %sub3A_19 = arith.constant 1.000000e+00 : f32
    %sub3A_20 = vector.broadcast %sub3A_19 : f32 to vector<128x1xf32>
    %sub3A_21 = arith.subf %sub3A_20, %transpose3A_17 : vector<128x1xf32>
    %sqrt3A_22 = math.sqrt %sub3A_21 : vector<128x1xf32>
    %get3A_23 = arith.constant 128 : index
    %get3A_24 = arith.constant 0 : index
    %get3A_25 = vector.load %arg2[%get3A_23, %get3A_24] : memref<1024x1024xf32, #tpu.memory_space<vmem>>, vector<128x1024xf32>
    %mul3A_26 = vector.broadcast %sqrt3A_18 : vector<128x1xf32> to vector<128x1024xf32>
    %mul3A_27 = arith.mulf %mul3A_26, %get3A_25 : vector<128x1024xf32>
    %get3A_28 = arith.constant 128 : index
    %get3A_29 = arith.constant 0 : index
    %get3A_30 = vector.load %arg3[%get3A_28, %get3A_29] : memref<1024x1024xf32, #tpu.memory_space<vmem>>, vector<128x1024xf32>
    %mul3A_31 = vector.broadcast %sqrt3A_22 : vector<128x1xf32> to vector<128x1024xf32>
    %mul3A_32 = arith.mulf %mul3A_31, %get3A_30 : vector<128x1024xf32>
    %add3A_33 = arith.addf %mul3A_27, %mul3A_32 : vector<128x1024xf32>
    %swap3A_34 = arith.constant 128 : index
    %swap3A_35 = arith.constant 0 : index
    %swap3A_36 = vector.load %arg4[%swap3A_34, %swap3A_35] : memref<1024x1024xf32, #tpu.memory_space<vmem>>, vector<128x1024xf32>
    tpu.vector_store %arg4[%swap3A_34, %swap3A_35], %add3A_33 {strides = array<i32>} : memref<1024x1024xf32, #tpu.memory_space<vmem>>, vector<128x1024xf32>,
    %slice3A_37 = vector.extract_strided_slice %get3A_1 {offsets = [2, 0], sizes = [1, 128], strides = [1, 1]} : vector<8x128xf32> to vector<1x128xf32>
    %transpose3A_38 = tpu.transpose %slice3A_37, [1, 0] : vector<1x128xf32> -> vector<128x1xf32>
    %sqrt3A_39 = math.sqrt %transpose3A_38 : vector<128x1xf32>
    %sub3A_40 = arith.constant 1.000000e+00 : f32
    %sub3A_41 = vector.broadcast %sub3A_40 : f32 to vector<128x1xf32>
    %sub3A_42 = arith.subf %sub3A_41, %transpose3A_38 : vector<128x1xf32>
    %sqrt3A_43 = math.sqrt %sub3A_42 : vector<128x1xf32>
    %get3A_44 = arith.constant 256 : index
    %get3A_45 = arith.constant 0 : index
    %get3A_46 = vector.load %arg2[%get3A_44, %get3A_45] : memref<1024x1024xf32, #tpu.memory_space<vmem>>, vector<128x1024xf32>
    %mul3A_47 = vector.broadcast %sqrt3A_39 : vector<128x1xf32> to vector<128x1024xf32>
    %mul3A_48 = arith.mulf %mul3A_47, %get3A_46 : vector<128x1024xf32>
    %get3A_49 = arith.constant 256 : index
    %get3A_50 = arith.constant 0 : index
    %get3A_51 = vector.load %arg3[%get3A_49, %get3A_50] : memref<1024x1024xf32, #tpu.memory_space<vmem>>, vector<128x1024xf32>
    %mul3A_52 = vector.broadcast %sqrt3A_43 : vector<128x1xf32> to vector<128x1024xf32>
    %mul3A_53 = arith.mulf %mul3A_52, %get3A_51 : vector<128x1024xf32>
    %add3A_54 = arith.addf %mul3A_48, %mul3A_53 : vector<128x1024xf32>
    %swap3A_55 = arith.constant 256 : index
    %swap3A_56 = arith.constant 0 : index
    %swap3A_57 = vector.load %arg4[%swap3A_55, %swap3A_56] : memref<1024x1024xf32, #tpu.memory_space<vmem>>, vector<128x1024xf32>
    tpu.vector_store %arg4[%swap3A_55, %swap3A_56], %add3A_54 {strides = array<i32>} : memref<1024x1024xf32, #tpu.memory_space<vmem>>, vector<128x1024xf32>,
    %slice3A_58 = vector.extract_strided_slice %get3A_1 {offsets = [3, 0], sizes = [1, 128], strides = [1, 1]} : vector<8x128xf32> to vector<1x128xf32>
    %transpose3A_59 = tpu.transpose %slice3A_58, [1, 0] : vector<1x128xf32> -> vector<128x1xf32>
    %sqrt3A_60 = math.sqrt %transpose3A_59 : vector<128x1xf32>
    %sub3A_61 = arith.constant 1.000000e+00 : f32
    %sub3A_62 = vector.broadcast %sub3A_61 : f32 to vector<128x1xf32>
    %sub3A_63 = arith.subf %sub3A_62, %transpose3A_59 : vector<128x1xf32>
    %sqrt3A_64 = math.sqrt %sub3A_63 : vector<128x1xf32>
    %get3A_65 = arith.constant 384 : index
    %get3A_66 = arith.constant 0 : index
    %get3A_67 = vector.load %arg2[%get3A_65, %get3A_66] : memref<1024x1024xf32, #tpu.memory_space<vmem>>, vector<128x1024xf32>
    %mul3A_68 = vector.broadcast %sqrt3A_60 : vector<128x1xf32> to vector<128x1024xf32>
    %mul3A_69 = arith.mulf %mul3A_68, %get3A_67 : vector<128x1024xf32>
    %get3A_70 = arith.constant 384 : index
    %get3A_71 = arith.constant 0 : index
    %get3A_72 = vector.load %arg3[%get3A_70, %get3A_71] : memref<1024x1024xf32, #tpu.memory_space<vmem>>, vector<128x1024xf32>
    %mul3A_73 = vector.broadcast %sqrt3A_64 : vector<128x1xf32> to vector<128x1024xf32>
    %mul3A_74 = arith.mulf %mul3A_73, %get3A_72 : vector<128x1024xf32>
    %add3A_75 = arith.addf %mul3A_69, %mul3A_74 : vector<128x1024xf32>
    %swap3A_76 = arith.constant 384 : index
    %swap3A_77 = arith.constant 0 : index
    %swap3A_78 = vector.load %arg4[%swap3A_76, %swap3A_77] : memref<1024x1024xf32, #tpu.memory_space<vmem>>, vector<128x1024xf32>
    tpu.vector_store %arg4[%swap3A_76, %swap3A_77], %add3A_75 {strides = array<i32>} : memref<1024x1024xf32, #tpu.memory_space<vmem>>, vector<128x1024xf32>,
    %slice3A_79 = vector.extract_strided_slice %get3A_1 {offsets = [4, 0], sizes = [1, 128], strides = [1, 1]} : vector<8x128xf32> to vector<1x128xf32>
    %transpose3A_80 = tpu.transpose %slice3A_79, [1, 0] : vector<1x128xf32> -> vector<128x1xf32>
    %sqrt3A_81 = math.sqrt %transpose3A_80 : vector<128x1xf32>
    %sub3A_82 = arith.constant 1.000000e+00 : f32
    %sub3A_83 = vector.broadcast %sub3A_82 : f32 to vector<128x1xf32>
    %sub3A_84 = arith.subf %sub3A_83, %transpose3A_80 : vector<128x1xf32>
    %sqrt3A_85 = math.sqrt %sub3A_84 : vector<128x1xf32>
    %get3A_86 = arith.constant 512 : index
    %get3A_87 = arith.constant 0 : index
    %get3A_88 = vector.load %arg2[%get3A_86, %get3A_87] : memref<1024x1024xf32, #tpu.memory_space<vmem>>, vector<128x1024xf32>
    %mul3A_89 = vector.broadcast %sqrt3A_81 : vector<128x1xf32> to vector<128x1024xf32>
    %mul3A_90 = arith.mulf %mul3A_89, %get3A_88 : vector<128x1024xf32>
    %get3A_91 = arith.constant 512 : index
    %get3A_92 = arith.constant 0 : index
    %get3A_93 = vector.load %arg3[%get3A_91, %get3A_92] : memref<1024x1024xf32, #tpu.memory_space<vmem>>, vector<128x1024xf32>
    %mul3A_94 = vector.broadcast %sqrt3A_85 : vector<128x1xf32> to vector<128x1024xf32>
    %mul3A_95 = arith.mulf %mul3A_94, %get3A_93 : vector<128x1024xf32>
    %add3A_96 = arith.addf %mul3A_90, %mul3A_95 : vector<128x1024xf32>
    %swap3A_97 = arith.constant 512 : index
    %swap3A_98 = arith.constant 0 : index
    %swap3A_99 = vector.load %arg4[%swap3A_97, %swap3A_98] : memref<1024x1024xf32, #tpu.memory_space<vmem>>, vector<128x1024xf32>
    tpu.vector_store %arg4[%swap3A_97, %swap3A_98], %add3A_96 {strides = array<i32>} : memref<1024x1024xf32, #tpu.memory_space<vmem>>, vector<128x1024xf32>,
    %slice3A_100 = vector.extract_strided_slice %get3A_1 {offsets = [5, 0], sizes = [1, 128], strides = [1, 1]} : vector<8x128xf32> to vector<1x128xf32>
    %transpose3A_101 = tpu.transpose %slice3A_100, [1, 0] : vector<1x128xf32> -> vector<128x1xf32>
    %sqrt3A_102 = math.sqrt %transpose3A_101 : vector<128x1xf32>
    %sub3A_103 = arith.constant 1.000000e+00 : f32
    %sub3A_104 = vector.broadcast %sub3A_103 : f32 to vector<128x1xf32>
    %sub3A_105 = arith.subf %sub3A_104, %transpose3A_101 : vector<128x1xf32>
    %sqrt3A_106 = math.sqrt %sub3A_105 : vector<128x1xf32>
    %get3A_107 = arith.constant 640 : index
    %get3A_108 = arith.constant 0 : index
    %get3A_109 = vector.load %arg2[%get3A_107, %get3A_108] : memref<1024x1024xf32, #tpu.memory_space<vmem>>, vector<128x1024xf32>
    %mul3A_110 = vector.broadcast %sqrt3A_102 : vector<128x1xf32> to vector<128x1024xf32>
    %mul3A_111 = arith.mulf %mul3A_110, %get3A_109 : vector<128x1024xf32>
    %get3A_112 = arith.constant 640 : index
    %get3A_113 = arith.constant 0 : index
    %get3A_114 = vector.load %arg3[%get3A_112, %get3A_113] : memref<1024x1024xf32, #tpu.memory_space<vmem>>, vector<128x1024xf32>
    %mul3A_115 = vector.broadcast %sqrt3A_106 : vector<128x1xf32> to vector<128x1024xf32>
    %mul3A_116 = arith.mulf %mul3A_115, %get3A_114 : vector<128x1024xf32>
    %add3A_117 = arith.addf %mul3A_111, %mul3A_116 : vector<128x1024xf32>
    %swap3A_118 = arith.constant 640 : index
    %swap3A_119 = arith.constant 0 : index
    %swap3A_120 = vector.load %arg4[%swap3A_118, %swap3A_119] : memref<1024x1024xf32, #tpu.memory_space<vmem>>, vector<128x1024xf32>
    tpu.vector_store %arg4[%swap3A_118, %swap3A_119], %add3A_117 {strides = array<i32>} : memref<1024x1024xf32, #tpu.memory_space<vmem>>, vector<128x1024xf32>,
    %slice3A_121 = vector.extract_strided_slice %get3A_1 {offsets = [6, 0], sizes = [1, 128], strides = [1, 1]} : vector<8x128xf32> to vector<1x128xf32>
    %transpose3A_122 = tpu.transpose %slice3A_121, [1, 0] : vector<1x128xf32> -> vector<128x1xf32>
    %sqrt3A_123 = math.sqrt %transpose3A_122 : vector<128x1xf32>
    %sub3A_124 = arith.constant 1.000000e+00 : f32
    %sub3A_125 = vector.broadcast %sub3A_124 : f32 to vector<128x1xf32>
    %sub3A_126 = arith.subf %sub3A_125, %transpose3A_122 : vector<128x1xf32>
    %sqrt3A_127 = math.sqrt %sub3A_126 : vector<128x1xf32>
    %get3A_128 = arith.constant 768 : index
    %get3A_129 = arith.constant 0 : index
    %get3A_130 = vector.load %arg2[%get3A_128, %get3A_129] : memref<1024x1024xf32, #tpu.memory_space<vmem>>, vector<128x1024xf32>
    %mul3A_131 = vector.broadcast %sqrt3A_123 : vector<128x1xf32> to vector<128x1024xf32>
    %mul3A_132 = arith.mulf %mul3A_131, %get3A_130 : vector<128x1024xf32>
    %get3A_133 = arith.constant 768 : index
    %get3A_134 = arith.constant 0 : index
    %get3A_135 = vector.load %arg3[%get3A_133, %get3A_134] : memref<1024x1024xf32, #tpu.memory_space<vmem>>, vector<128x1024xf32>
    %mul3A_136 = vector.broadcast %sqrt3A_127 : vector<128x1xf32> to vector<128x1024xf32>
    %mul3A_137 = arith.mulf %mul3A_136, %get3A_135 : vector<128x1024xf32>
    %add3A_138 = arith.addf %mul3A_132, %mul3A_137 : vector<128x1024xf32>
    %swap3A_139 = arith.constant 768 : index
    %swap3A_140 = arith.constant 0 : index
    %swap3A_141 = vector.load %arg4[%swap3A_139, %swap3A_140] : memref<1024x1024xf32, #tpu.memory_space<vmem>>, vector<128x1024xf32>
    tpu.vector_store %arg4[%swap3A_139, %swap3A_140], %add3A_138 {strides = array<i32>} : memref<1024x1024xf32, #tpu.memory_space<vmem>>, vector<128x1024xf32>,
    %slice3A_142 = vector.extract_strided_slice %get3A_1 {offsets = [7, 0], sizes = [1, 128], strides = [1, 1]} : vector<8x128xf32> to vector<1x128xf32>
    %transpose3A_143 = tpu.transpose %slice3A_142, [1, 0] : vector<1x128xf32> -> vector<128x1xf32>
    %sqrt3A_144 = math.sqrt %transpose3A_143 : vector<128x1xf32>
    %sub3A_145 = arith.constant 1.000000e+00 : f32
    %sub3A_146 = vector.broadcast %sub3A_145 : f32 to vector<128x1xf32>
    %sub3A_147 = arith.subf %sub3A_146, %transpose3A_143 : vector<128x1xf32>
    %sqrt3A_148 = math.sqrt %sub3A_147 : vector<128x1xf32>
    %get3A_149 = arith.constant 896 : index
    %get3A_150 = arith.constant 0 : index
    %get3A_151 = vector.load %arg2[%get3A_149, %get3A_150] : memref<1024x1024xf32, #tpu.memory_space<vmem>>, vector<128x1024xf32>
    %mul3A_152 = vector.broadcast %sqrt3A_144 : vector<128x1xf32> to vector<128x1024xf32>
    %mul3A_153 = arith.mulf %mul3A_152, %get3A_151 : vector<128x1024xf32>
    %get3A_154 = arith.constant 896 : index
    %get3A_155 = arith.constant 0 : index
    %get3A_156 = vector.load %arg3[%get3A_154, %get3A_155] : memref<1024x1024xf32, #tpu.memory_space<vmem>>, vector<128x1024xf32>
    %mul3A_157 = vector.broadcast %sqrt3A_148 : vector<128x1xf32> to vector<128x1024xf32>
    %mul3A_158 = arith.mulf %mul3A_157, %get3A_156 : vector<128x1024xf32>
    %add3A_159 = arith.addf %mul3A_153, %mul3A_158 : vector<128x1024xf32>
    %swap3A_160 = arith.constant 896 : index
    %swap3A_161 = arith.constant 0 : index
    %swap3A_162 = vector.load %arg4[%swap3A_160, %swap3A_161] : memref<1024x1024xf32, #tpu.memory_space<vmem>>, vector<128x1024xf32>
    tpu.vector_store %arg4[%swap3A_160, %swap3A_161], %add3A_159 {strides = array<i32>} : memref<1024x1024xf32, #tpu.memory_space<vmem>>, vector<128x1024xf32>,
    return
  }
  func.func @transform_0(%arg0: i32) -> (i32, i32) {
    %c0_i32 = arith.constant 0 : i32
    %c0_i32_0 = arith.constant 0 : i32
    return %arg0, %c0_i32 : i32, i32
  }
  func.func @transform_1(%arg0: i32) -> (i32, i32) {
    %c0_i32 = arith.constant 0 : i32
    %c0_i32_0 = arith.constant 0 : i32
    return %arg0, %c0_i32 : i32, i32
  }
  func.func @transform_2(%arg0: i32) -> (i32, i32) {
    %c0_i32 = arith.constant 0 : i32
    %c0_i32_0 = arith.constant 0 : i32
    return %arg0, %c0_i32 : i32, i32
  }
  func.func @transform_3(%arg0: i32) -> (i32, i32) {
    %c0_i32 = arith.constant 0 : i32
    %c0_i32_0 = arith.constant 0 : i32
    return %arg0, %c0_i32 : i32, i32
  }
}

</mosaic_0001>

<sc_bundles>
// kernel: kernel.4.cloned.1.call-start
scs
__scs_entry_jumppad:
0x0: {  	(pc) =	sbr.rel $0x88, $3  }
0x1: {  	(tag) =	ssettag $0x0;
	lr =	simm.s32 $0x1  }
0x2: {  	[smem:$0x3F9D] =	sst lr;
	_ =	strace $0xD0000000  }
0x3: {  	_ = 	snop  }
0x4: {  	_ = 	snop  }
0x5: {  	_ = 	snop  }
0x6: {  	_ = 	snop  }
0x7: {  	_ = 	snop  }
__scs_overlays_trampoline_lowered:
0x8: {  	[smem:$0x3FAC] =	sst s0  }
0x9: {  	[smem:$0x3FAD] =	sst s1  }
0xa: {  	[smem:$0x3FAE] =	sst s2  }
0xb: {  	[smem:$0x3FAF] =	sst s3  }
0xc: {  	[smem:$0x3FB0] =	sst s4  }
0xd: {  	[smem:$0x3FB1] =	sst s5  }
0xe: {  	[smem:$0x3FB2] =	sst s6  }
0xf: {  	[smem:$0x3FB3] =	sst s7  }
0x10: {  	[smem:$0x3FB4] =	sst s8  }
0x11: {  	[smem:$0x3FB5] =	sst s9;
	s0 =	simm.s32 @!p0 $0x0  }
0x12: {  	s1 =	sld [smem:$0x3F9B];
	s0 =	simm.s32 @p0 $0x1  }
0x13: {  	[smem:$0x3FB6] =	sst s0;
	s0 =	simm.s32 @!p1 $0x0  }
0x14: {  	s2 =	sld [smem:$0x3F9A];
	s0 =	simm.s32 @p1 $0x1  }
0x15: {  	[smem:$0x3FB7] =	sst s0;
	s0 =	simm.s32 @!p2 $0x0  }
0x16: {  	s3 =	sld [smem:$0x3FDB];
	s0 =	simm.s32 @p2 $0x1  }
0x17: {  	s4 =	simm.s32 $0x1BF5;
	[smem:$0x3FB9] =	sst s0  }
0x18: {  	s0 =	sld [smem:$0x3F9C];
	_ =	swait.ge [sflag:s4], $0x0  }
0x19: {  	s7 =	sld [smem:$0x3F9D]  }
0x1a: {  	s8 =	sadd.s32 $0xFFFFE003, lr  }
0x1b: {  	s9 =	sadd.s32 $0xFFFFFEF7, lr;
	s5 =	simm.s32 $0xFFFFFFFF;
	p2 =	slt.u32 s8, $0xFFFFF086  }
0x1c: {  	p1 =	slt.u32 s9, $0xF7A;
	s5 =	simm.s32 @!p2 $0x0  }
0x1d: {  	s5 =	simm.s32 @p1 $0x1;
	p0 =	seq.s32 s7, s2  }
0x1e: {  	s7 =	smul.u32 @!p0 $0xF7A, s2;
	p2 =	seq.s32 @!p0 s5, $0x0  }
0x1f: {  	s9 =	smul.u32 $0xF7A, s1;
	s8 =	simm.s32 @!p0 $0x1BF5;
	p2 =	por !p2, p0  }
0x20: {  	[sflag:s8] =	ssyncset.s32 @!p0 $0xFFFFF086;
	s6 =	sadd.s32 @!p0 s3, s7;
	s7 =	simm.s32 @!p0 $0x108  }
0x21: {  	s3 =	sadd.s32 s3, s9;
	s6 =	sadd.s32 @!p0 $0x88, s6;
	s7 =	simm.s32 @p2 $0x1082  }
0x22: {  	[simem:s7], [sflag:s8] =	dma.local @!p0 [hbm:s6], $0xF7A  }
0x23: {  	s9 =	sor.u32 $0xD0000000, s2;
	s6 =	simm.s32 $0x108;
	_ =	swait.ge @!p0 [sflag:s8], $0x0  }
0x24: {  	s3 =	sadd.s32 $0x88, s3;
	s6 =	simm.s32 @!p1 $0x1082;
	[sflag:s4] =	ssyncset.s32 $0xFFFFF086  }
0x25: {  	[simem:s6], [sflag:s4] =	dma.local [hbm:s3], $0xF7A  }
0x26: {  	[smem:$0x3F9D] =	sst s1;
	(tag) =	ssettag s2;
	_ =	strace s9  }
0x27: {  	s1 =	sld [smem:$0x3FAD]  }
0x28: {  	s2 =	sld [smem:$0x3FAE]  }
0x29: {  	s4 =	sld [smem:$0x3FB0]  }
0x2a: {  	p0 =	seq.s32 s5, $0x0;
	s5 =	sld [smem:$0x3FB1]  }
0x2b: {  	s6 =	sld [smem:$0x3FB2]  }
0x2c: {  	s7 =	sld [smem:$0x3FB3]  }
0x2d: {  	s3 =	simm.s32 $0x108;
	s8 =	sld [smem:$0x3FB4]  }
0x2e: {  	s3 =	simm.s32 @!p0 $0x1082;
	s9 =	sld [smem:$0x3FB5]  }
0x2f: {  	lr =	sadd.s32 s0, s3;
	s0 =	sld [smem:$0x3FAC]  }
0x30: {  	s3 =	sld [smem:$0x3FAF]  }
0x31: {  	[smem:$0x3FB8] =	sst s10  }
0x32: {  	s10 =	sld [smem:$0x3FB6];
	_ =	sdelay $0x3  }
0x33: {  	p0 =	seq.s32 s10, $0x1;
	s10 =	sld [smem:$0x3FB8];
	_ =	sdelay $0x3  }
0x34: {  	[smem:$0x3FB8] =	sst s10  }
0x35: {  	s10 =	sld [smem:$0x3FB7];
	_ =	sdelay $0x3  }
0x36: {  	p1 =	seq.s32 s10, $0x1;
	s10 =	sld [smem:$0x3FB8];
	_ =	sdelay $0x3  }
0x37: {  	[smem:$0x3FB8] =	sst s10  }
0x38: {  	s10 =	sld [smem:$0x3FB9]  }
0x39: {  	_ = 	snop;
	(pc) =	sbr.ind lr, $3  }
0x3a: {  	_ = 	snop  }
0x3b: {  	_ = 	snop  }
0x3c: {  	p2 =	seq.s32 s10, $0x1;
	s10 =	sld [smem:$0x3FB8]  }
0x3d: {  	_ =	shalt  }
0x3e: {  	_ =	shalt  }
0x3f: {  	_ =	shalt  }
0x40: {  	_ =	shalt  }
0x41: {  	_ =	shalt  }
0x42: {  	_ =	shalt  }
0x43: {  	_ =	shalt  }
0x44: {  	_ =	shalt  }
0x45: {  	_ =	shalt  }
0x46: {  	_ =	shalt  }
0x47: {  	_ =	shalt  }
0x48: {  	_ =	shalt  }
0x49: {  	_ =	shalt  }
0x4a: {  	_ =	shalt  }
0x4b: {  	_ =	shalt  }
0x4c: {  	_ =	shalt  }
0x4d: {  	_ =	shalt  }
0x4e: {  	_ =	shalt  }
0x4f: {  	_ =	shalt  }
0x50: {  	_ =	shalt  }
0x51: {  	_ =	shalt  }
0x52: {  	_ =	shalt  }
0x53: {  	_ =	shalt  }
0x54: {  	_ =	shalt  }
0x55: {  	_ =	shalt  }
0x56: {  	_ =	shalt  }
0x57: {  	_ =	shalt  }
0x58: {  	_ =	shalt  }
0x59: {  	_ =	shalt  }
0x5a: {  	_ =	shalt  }
0x5b: {  	_ =	shalt  }
0x5c: {  	_ =	shalt  }
0x5d: {  	_ =	shalt  }
0x5e: {  	_ =	shalt  }
0x5f: {  	_ =	shalt  }
0x60: {  	_ =	shalt  }
0x61: {  	_ =	shalt  }
0x62: {  	_ =	shalt  }
0x63: {  	_ =	shalt  }
0x64: {  	_ =	shalt  }
0x65: {  	_ =	shalt  }
0x66: {  	_ =	shalt  }
0x67: {  	_ =	shalt  }
0x68: {  	_ =	shalt  }
0x69: {  	_ =	shalt  }
0x6a: {  	_ =	shalt  }
0x6b: {  	_ =	shalt  }
0x6c: {  	_ =	shalt  }
0x6d: {  	_ =	shalt  }
0x6e: {  	_ =	shalt  }
0x6f: {  	_ =	shalt  }
0x70: {  	_ =	shalt  }
0x71: {  	_ =	shalt  }
0x72: {  	_ =	shalt  }
0x73: {  	_ =	shalt  }
0x74: {  	_ =	shalt  }
0x75: {  	_ =	shalt  }
0x76: {  	_ =	shalt  }
0x77: {  	_ =	shalt  }
0x78: {  	_ =	shalt  }
0x79: {  	_ =	shalt  }
0x7a: {  	_ =	shalt  }
0x7b: {  	_ =	shalt  }
0x7c: {  	_ =	shalt  }
0x7d: {  	_ =	shalt  }
0x7e: {  	_ =	shalt  }
0x7f: {  	_ =	shalt  }
0x80: {  	_ =	shalt  }
0x81: {  	_ =	shalt  }
0x82: {  	_ =	shalt  }
0x83: {  	_ =	shalt  }
0x84: {  	_ =	shalt  }
0x85: {  	_ =	shalt  }
0x86: {  	_ =	shalt  }
0x87: {  	_ =	shalt  }
.Lfunc_end0:
.L_simem_size_0:
called_computation_lowered:
.L_overlay_start_0:
0x88: {  	s2 =	sld [smem:$0x3FD9]  }
0x89: {  	s3 =	sld [smem:$0x3FFE];
	_ =	sdelay $0x1  }
0x8a: {  	s1 =	srdreg.scid  }
0x8b: {  	s0 =	sand.u32 $0x1, s1  }
0x8c: {  	s18 =	sshll.u32 s0, $0xA;
	s2 =	sadd.s32 s3, s2  }
0x8d: {  	s2 =	sadd.s32 s2, s18  }
0x8e: {  	[smem:$0x3FC4] =	sst s2  }
0x8f: {  	_ = 	snop  }
0x90: {  	s2 =	sld [smem:$0x3FC8]  }
0x91: {  	s19 =	sld [smem:$0x3FC6]  }
0x92: {  	s4 =	sld [smem:$0x3FD0];
	(tm) =	ssettm $0x1  }
0x93: {  	s5 =	sld [smem:$0x3FFB];
	_ =	sdelay $0x3  }
0x94: {  	_ =	strace s5  }
0x95: {  	s5 =	sld [smem:$0x3FFC];
	_ =	sdelay $0x3  }
0x96: {  	_ =	strace s5  }
0x97: {  	s5 =	sld [smem:$0x3FFD];
	_ =	sdelay $0x3  }
0x98: {  	_ =	strace s5  }
0x99: {  	_ =	strace $0x8FFFFFFF  }
0x9a: {  	s20 =	sld [smem:$0x3FDB];
	_ =	sdelay $0x1  }
0x9b: {  	s6 =	simm.s32 $_scs_section_size  }
0x9c: {  	s7 =	simm.s32 $_size__tile_overlayer_lowered;
	s8 =	simm.s32 $_tile_overlayer_lowered  }
0x9d: {  	s23 =	simm.s32 $0x1BFF;
	s22 =	sshll.u32 s8, $0x1;
	s5 =	sadd.s32 s6, s20  }
0x9e: {  	s9 =	simm.s32 $0x0;
	s21 =	sshll.u32 s7, $0x1;
	s7 =	sadd.s32 s22, s5  }
0x9f: {  	[timem:s9], [sflag:s23] =	dma.local [hbm:s7], s21  }
0xa0: {  	_ =	swait.ge [sflag:s23], s21  }
0xa1: {  	s6 =	ssub.s32 $0x0, s21;
	[sflag:s23] =	ssyncset.done $0x0  }
0xa2: {  	[sflag:s23] =	ssyncadd.s32 s6;
	_ =	sdelay $0x1  }
0xa3: {  	s24 =	simm.s32 $0x1B8B  }
0xa4: {  	_ =	swait.ge [sflag:s24], $0x1  }
0xa5: {  	[sflag:s24] =	ssyncset.done $0x0  }
0xa6: {  	s25 =	simm.s32 $0x1B8E;
	[sflag:s24] =	ssyncadd.s32 $0xFFFFFFFF  }
0xa7: {  	s26 =	simm.s32 $execute0_lowered;
	[smem:$0x3FD2] =	sst s25  }
0xa8: {  	s6 =	sshll.u32 s26, $0x1;
	_ =	strace $0x80000046;
	[dreg:$0x1] =	wrdreg $0xFFFFFFFF  }
0xa9: {  	s28 =	simm.s32 $_size_execute0_lowered;
	s5 =	sadd.s32 s5, s6;
	[dreg:$0x0] =	wrdreg $0x0  }
0xaa: {  	s6 =	sshll.u32 s28, $0x1;
	[dreg:$0x2] =	wrdreg s5  }
0xab: {  	[dreg:$0x3] =	wrdreg s6  }
0xac: {  	[dreg:$0x4] =	wrdreg $0xC0  }
0xad: {  	_ =	task [dreg:s9], $0x5FFFF  }
0xae: {  	[dreg:$0x1] =	wrdreg $0xFFFFFFFF  }
0xaf: {  	[dreg:$0x0] =	wrdreg $0x60  }
0xb0: {  	[dreg:$0x2] =	wrdreg s19  }
0xb1: {  	[dreg:$0x3] =	wrdreg s2  }
0xb2: {  	[dreg:$0x4] =	wrdreg s4  }
0xb3: {  	[dreg:$0x5] =	wrdreg $0x9  }
0xb4: {  	_ =	task.clear_ibuf [dreg:s9], $0x6FFFF;
	_ =	strace $0x90000046  }
0xb5: {  	s29 =	simm.s32 $0x9;
	_ =	strace $0x80000048  }
0xb6: {  	_ =	swait.ge [sflag:s29], $0x1  }
0xb7: {  	[sflag:s29] =	ssyncadd.s32 $0xFFFFFFFF  }
0xb8: {  	_ =	strace $0x90000048  }
0xb9: {  	_ =	sfence  }
0xba: {  	s30 =	sld [smem:$0x0];
	_ =	sdelay $0x2  }
0xbb: {  	s31 =	sshll.u32 s1, $0xD;
	s1 =	sshrl.u32 s1, $0x2  }
0xbc: {  	s3 =	sand.u32 $0x4000, s31;
	s1 =	sadd.s32 s1, s30  }
0xbd: {  	s0 =	sor.u32 s3, s0;
	s1 =	sshll.u32 s1, $0x11  }
0xbe: {  	s0 =	sor.u32 s1, s0  }
0xbf: {  	s0 =	sadd.s32 $0x8F2B, s0  }
0xc0: {  	[sflag:s0] =	ssyncadd.remote.s32 $0x1  }
0xc1: {  	_ =	sfence.sel $0xFFFF  }
0xc2: {  	[dreg:$0x0] =	wrdreg $0xFFFFFFFF;
	(pc) =	sbr.abs _section_cstart, $3  }
0xc3: {  	[dreg:$0x1] =	wrdreg $0xFFFFFFFF  }
0xc4: {  	_ =	task.clear_ibuf [dreg:s9], $0x2FFFF;
	_ =	strace $0x9FFFFFFF  }
0xc5: {  	(tm) =	ssettm $0x7FFFFFFF  }
tec
execute0_lowered:
.L_overlay_start_1:
0x0: {  	(tag) =	ssettag $0x1  }
0x1: {  	s2 =	rddreg [dreg:$0x0]  }
0x2: {  	s9 =	rddreg [dreg:$0x1]  }
0x3: {  	s20 =	rddreg [dreg:$0x2];
	s3 =	srdreg.scid  }
0x4: {  	s0 =	rddreg [dreg:$0x3];
	s1 =	stileid.u32;
	s22 =	sand.u32 $0x1, s3  }
0x5: {  	s3 =	simm.s32 $0x0;
	s4 =	sshll.u32 s1, $0x7;
	s5 =	sshll.u32 s22, $0x6  }
0x6: {  	[smem:$0x7FF] =	sst s3;
	s17 =	sor.u32 s5, s4  }
0x7: {  	_ =	strace $0x80000047;
	s4 =	sadd.s32 s9, s17;
	s18 =	sor.u32 $0x10, s17  }
0x8: {  	[tilespmem:s3], [sflag:$0x1] =	stream.linear.gather [hbm4b:s4+s3], $0x80, $0x38;
	[tilespmem:$0x400] =	vst v63  }
0x9: {  	s6 =	simm.s32 $0x80;
	s19 =	sor.u32 $0x20, s17;
	s5 =	sadd.s32 s9, s18  }
0xa: {  	[tilespmem:s6], [sflag:$0x1] =	stream.linear.gather [hbm4b:s5+s3], $0x80, $0x38;
	[tilespmem:$0x400] =	vst v63  }
0xb: {  	s8 =	simm.s32 $0x100;
	s21 =	sor.u32 $0x30, s17;
	s7 =	sadd.s32 s9, s19  }
0xc: {  	[tilespmem:s8], [sflag:$0x1] =	stream.linear.gather [hbm4b:s7+s3], $0x80, $0x38;
	[tilespmem:$0x400] =	vst v63  }
0xd: {  	s10 =	simm.s32 $0x180;
	s11 =	simm.s32 $0x1;
	s9 =	sadd.s32 s9, s21  }
0xe: {  	[tilespmem:s10], [sflag:$0x1] =	stream.linear.gather [hbm4b:s9+s3], $0x80, $0x38;
	[tilespmem:$0x400] =	vst v63  }
0xf: {  	_ =	swait.ge [sflag:s11], $0x80  }
0x10: {  	[sflag:s11] =	ssyncset.done $0x0  }
0x11: {  	s12 =	simm.s32 $0x200;
	[sflag:s11] =	ssyncadd.s32 $0xFFFFFF80  }
0x12: {  	[tilespmem:s12], [sflag:$0x2] =	stream.indirect.gather [hbm4b:s2+s6], $0x1, s3, s6, $0xb8;
	[tilespmem:$0x400] =	vst v63  }
0x13: {  	_ =	swait.ge [sflag:s11], $0x80  }
0x14: {  	[sflag:s11] =	ssyncset.done $0x0  }
0x15: {  	s13 =	simm.s32 $0x280;
	[sflag:s11] =	ssyncadd.s32 $0xFFFFFF80  }
0x16: {  	[tilespmem:s13], [sflag:$0x2] =	stream.indirect.gather [hbm4b:s2+s6], $0x1, s6, s6, $0xb8;
	[tilespmem:$0x400] =	vst v63  }
0x17: {  	_ =	swait.ge [sflag:s11], $0x80  }
0x18: {  	[sflag:s11] =	ssyncset.done $0x0  }
0x19: {  	s14 =	simm.s32 $0x300;
	[sflag:s11] =	ssyncadd.s32 $0xFFFFFF80  }
0x1a: {  	[tilespmem:s14], [sflag:$0x2] =	stream.indirect.gather [hbm4b:s2+s6], $0x1, s8, s6, $0xb8;
	[tilespmem:$0x400] =	vst v63  }
0x1b: {  	_ =	swait.ge [sflag:s11], $0x80  }
0x1c: {  	[sflag:s11] =	ssyncset.done $0x0  }
0x1d: {  	s15 =	simm.s32 $0x380;
	s16 =	simm.s32 $0x2;
	[sflag:s11] =	ssyncadd.s32 $0xFFFFFF80  }
0x1e: {  	[tilespmem:s15], [sflag:$0x2] =	stream.indirect.gather [hbm4b:s2+s6], $0x1, s10, s6, $0xb8;
	[tilespmem:$0x400] =	vst v63  }
0x1f: {  	_ =	swait.ge [sflag:s16], $0x80  }
0x20: {  	[sflag:s16] =	ssyncset.done $0x0  }
0x21: {  	s17 =	sadd.s32 s20, s17;
	[sflag:s16] =	ssyncadd.s32 $0xFFFFFF80  }
0x22: {  	[hbm4b:s17+s3] =	stream.linear.scatter [tilespmem:s12], [sflag:$0x3], $0x80, $0x38;
	[tilespmem:$0x400] =	vst v63  }
0x23: {  	_ =	swait.ge [sflag:s16], $0x80  }
0x24: {  	[sflag:s16] =	ssyncset.done $0x0  }
0x25: {  	s18 =	sadd.s32 s20, s18;
	[sflag:s16] =	ssyncadd.s32 $0xFFFFFF80  }
0x26: {  	[hbm4b:s18+s3] =	stream.linear.scatter [tilespmem:s13], [sflag:$0x3], $0x80, $0x38;
	[tilespmem:$0x400] =	vst v63  }
0x27: {  	_ =	swait.ge [sflag:s16], $0x80  }
0x28: {  	[sflag:s16] =	ssyncset.done $0x0  }
0x29: {  	s19 =	sadd.s32 s20, s19;
	[sflag:s16] =	ssyncadd.s32 $0xFFFFFF80  }
0x2a: {  	[hbm4b:s19+s3] =	stream.linear.scatter [tilespmem:s14], [sflag:$0x3], $0x80, $0x38;
	[tilespmem:$0x400] =	vst v63  }
0x2b: {  	_ =	swait.ge [sflag:s16], $0x80  }
0x2c: {  	[sflag:s16] =	ssyncset.done $0x0  }
0x2d: {  	s21 =	sadd.s32 s20, s21;
	s20 =	simm.s32 $0x3;
	[sflag:s16] =	ssyncadd.s32 $0xFFFFFF80  }
0x2e: {  	[hbm4b:s21+s3] =	stream.linear.scatter [tilespmem:s15], [sflag:$0x3], $0x80, $0x38;
	[tilespmem:$0x400] =	vst v63  }
0x2f: {  	_ =	swait.ge [sflag:s20], $0x80  }
0x30: {  	s22 =	ssub.s32 $0x2, s22;
	[sflag:s20] =	ssyncset.done $0x0  }
0x31: {  	s23 =	sshrl.u32 s22, $0x1;
	[sflag:s20] =	ssyncadd.s32 $0xFFFFFF80  }
0x32: {  	s22 =	ssub.s32 s22, s23;
	_ =	swait.ge [sflag:s20], $0x80  }
0x33: {  	s22 =	smax.u32 s22, $0x1;
	[sflag:s20] =	ssyncset.done $0x0  }
0x34: {  	p0 =	sne.s32 s22, $0x1;
	[sflag:s20] =	ssyncadd.s32 $0xFFFFFF80  }
.Ltmp0:
0x35: {  	_ =	swait.ge [sflag:s20], $0x80;
	(pc) =	sbr.rel @!p0 .LBB2_2-.Ltmp0, $4  }
0x36: {  	[sflag:s20] =	ssyncset.done $0x0  }
0x37: {  	[sflag:s20] =	ssyncadd.s32 $0xFFFFFF80  }
0x38: {  	_ =	swait.ge [sflag:s20], $0x80  }
0x39: {  	s22 =	sadd.s32 $0xFFFFFFFF, s22;
	[sflag:s20] =	ssyncset.done $0x0  }
.LBB2_1:
0x3a: {  	p0 =	sne.s32 s22, $0x1;
	s22 =	sadd.s32 $0xFFFFFFFF, s22;
	[sflag:s20] =	ssyncadd.s32 $0xFFFFFF80  }
0x3b: {  	[tilespmem:s3], [sflag:$0x1] =	stream.linear.gather [hbm4b:s4+s3], $0x80, $0x38;
	[tilespmem:$0x400] =	vst v63  }
0x3c: {  	_ = 	snop  }
0x3d: {  	[tilespmem:s6], [sflag:$0x1] =	stream.linear.gather [hbm4b:s5+s3], $0x80, $0x38;
	[tilespmem:$0x400] =	vst v63  }
0x3e: {  	_ = 	snop  }
0x3f: {  	[tilespmem:s8], [sflag:$0x1] =	stream.linear.gather [hbm4b:s7+s3], $0x80, $0x38;
	[tilespmem:$0x400] =	vst v63  }
0x40: {  	_ = 	snop  }
0x41: {  	[tilespmem:s10], [sflag:$0x1] =	stream.linear.gather [hbm4b:s9+s3], $0x80, $0x38;
	[tilespmem:$0x400] =	vst v63  }
0x42: {  	_ =	swait.ge [sflag:s11], $0x80  }
0x43: {  	[sflag:s11] =	ssyncset.done $0x0  }
0x44: {  	[sflag:s11] =	ssyncadd.s32 $0xFFFFFF80  }
0x45: {  	[tilespmem:s12], [sflag:$0x2] =	stream.indirect.gather [hbm4b:s2+s6], $0x1, s3, s6, $0xb8;
	[tilespmem:$0x400] =	vst v63  }
0x46: {  	_ =	swait.ge [sflag:s11], $0x80  }
0x47: {  	[sflag:s11] =	ssyncset.done $0x0  }
0x48: {  	[sflag:s11] =	ssyncadd.s32 $0xFFFFFF80  }
0x49: {  	[tilespmem:s13], [sflag:$0x2] =	stream.indirect.gather [hbm4b:s2+s6], $0x1, s6, s6, $0xb8;
	[tilespmem:$0x400] =	vst v63  }
0x4a: {  	_ =	swait.ge [sflag:s11], $0x80  }
0x4b: {  	[sflag:s11] =	ssyncset.done $0x0  }
0x4c: {  	[sflag:s11] =	ssyncadd.s32 $0xFFFFFF80  }
0x4d: {  	[tilespmem:s14], [sflag:$0x2] =	stream.indirect.gather [hbm4b:s2+s6], $0x1, s8, s6, $0xb8;
	[tilespmem:$0x400] =	vst v63  }
0x4e: {  	_ =	swait.ge [sflag:s11], $0x80  }
0x4f: {  	[sflag:s11] =	ssyncset.done $0x0  }
0x50: {  	[sflag:s11] =	ssyncadd.s32 $0xFFFFFF80  }
0x51: {  	[tilespmem:s15], [sflag:$0x2] =	stream.indirect.gather [hbm4b:s2+s6], $0x1, s10, s6, $0xb8;
	[tilespmem:$0x400] =	vst v63  }
0x52: {  	_ =	swait.ge [sflag:s16], $0x80  }
0x53: {  	[sflag:s16] =	ssyncset.done $0x0  }
0x54: {  	[sflag:s16] =	ssyncadd.s32 $0xFFFFFF80  }
0x55: {  	[hbm4b:s17+s3] =	stream.linear.scatter [tilespmem:s12], [sflag:$0x3], $0x80, $0x38;
	[tilespmem:$0x400] =	vst v63  }
0x56: {  	_ =	swait.ge [sflag:s16], $0x80  }
0x57: {  	[sflag:s16] =	ssyncset.done $0x0  }
0x58: {  	[sflag:s16] =	ssyncadd.s32 $0xFFFFFF80  }
0x59: {  	[hbm4b:s18+s3] =	stream.linear.scatter [tilespmem:s13], [sflag:$0x3], $0x80, $0x38;
	[tilespmem:$0x400] =	vst v63  }
0x5a: {  	_ =	swait.ge [sflag:s16], $0x80  }
0x5b: {  	[sflag:s16] =	ssyncset.done $0x0  }
0x5c: {  	[sflag:s16] =	ssyncadd.s32 $0xFFFFFF80  }
0x5d: {  	[hbm4b:s19+s3] =	stream.linear.scatter [tilespmem:s14], [sflag:$0x3], $0x80, $0x38;
	[tilespmem:$0x400] =	vst v63  }
0x5e: {  	_ =	swait.ge [sflag:s16], $0x80  }
0x5f: {  	[sflag:s16] =	ssyncset.done $0x0  }
0x60: {  	[sflag:s16] =	ssyncadd.s32 $0xFFFFFF80  }
0x61: {  	[hbm4b:s21+s3] =	stream.linear.scatter [tilespmem:s15], [sflag:$0x3], $0x80, $0x38;
	[tilespmem:$0x400] =	vst v63  }
0x62: {  	_ =	swait.ge [sflag:s20], $0x80  }
0x63: {  	[sflag:s20] =	ssyncset.done $0x0  }
0x64: {  	[sflag:s20] =	ssyncadd.s32 $0xFFFFFF80  }
0x65: {  	_ =	swait.ge [sflag:s20], $0x80  }
0x66: {  	[sflag:s20] =	ssyncset.done $0x0  }
0x67: {  	[sflag:s20] =	ssyncadd.s32 $0xFFFFFF80  }
.Ltmp1:
0x68: {  	_ =	swait.ge [sflag:s20], $0x80;
	(pc) =	sbr.rel @p0 .LBB2_1-.Ltmp1, $4  }
0x69: {  	[sflag:s20] =	ssyncset.done $0x0  }
0x6a: {  	[sflag:s20] =	ssyncadd.s32 $0xFFFFFF80  }
0x6b: {  	_ =	swait.ge [sflag:s20], $0x80  }
0x6c: {  	[sflag:s20] =	ssyncset.done $0x0  }
.LBB2_2:
0x6d: {  	[sflag:s20] =	ssyncadd.s32 $0xFFFFFF80  }
0x6e: {  	_ =	sfence.sel $0x180000  }
0x6f: {  	[bflag:$0x0] =	sbarrier.arrive $0xFFFF  }
0x70: {  	p0 =	sne.s32 s1, $0x0;
	_ =	strace $0x90000047  }
0x71: {  	s0 =	sadd.s32 @!p0 $0x100000, s0;
	[bflag:$0x2] =	sbarrier.arrive $0xFFFF  }
0x72: {  	[sflag:s0] =	ssyncadd.tile.s32 @!p0 $0x1;
	_ =	shalt  }
.Lfunc_end2:
_tile_overlayer_lowered:
.L_overlay_start_2:
0x73: {  	(tag) =	ssettag $0x2  }
0x74: {  	s0 =	rddreg [dreg:$0x0];
	s2 =	stileid.u32  }
0x75: {  	s1 =	rddreg [dreg:$0x1];
	p0 =	sne.s32 s2, $0x0  }
0x76: {  	s3 =	rddreg [dreg:$0x2];
	[bflag:$0x3] =	sbarrier.arrive $0xFFFF;
	s2 =	simm.s32 @!p0 $0x1C04  }
0x77: {  	[timem:s3], [sflag:s2] =	dma.local @!p0 [hbm:s0], s1  }
0x78: {  	s0 =	simm.s32 @!p0 $0x4  }
0x79: {  	_ =	swait.ge @!p0 [sflag:s0], s1  }
0x7a: {  	s1 =	ssub.s32 @!p0 $0x0, s1;
	[sflag:s0] =	ssyncset.done @!p0 $0x0  }
0x7b: {  	[sflag:s0] =	ssyncadd.s32 @!p0 s1  }
0x7c: {  	[bflag:$0x3] =	sbarrier.arrive $0xFFFF  }
0x7d: {  	_ =	shalt  }

</sc_bundles>
